<compile_context>
chip_gen: v7x
topology: tpu7x:2x2x1
jax: 0.10.2.dev20260603
libtpu: 0.0.44.dev20260713+nightly
codegen_flags: <defaults>
</compile_context>

<pallas_src>
import functools

import jax
import jax.numpy as jnp
from jax import lax
from jax.experimental import pallas as pl
from jax.experimental.pallas import tpu as pltpu
from jax.experimental.pallas import tpu_sc as plsc

D_MODEL = 1024
N_TOKENS = 4 * 8192

NC = 2
NS = 16
NW = NC * NS

CHUNK = 32
LANES = 16

N_SC = 1024
N_TC = N_TOKENS - N_SC
TB = 512


def _make_sc_lookup(n_tokens):
    t_per_w = n_tokens // NW
    chunk = min(CHUNK, t_per_w)
    shift = chunk.bit_length() - 1
    nch = t_per_w // chunk

    def body(rep_hbm, bits_hbm, out_hbm, bits_v, pos_v, src_v, sem_s):
        wid = lax.axis_index("s") * NC + lax.axis_index("c")
        base = wid * t_per_w

        pltpu.sync_copy(bits_hbm.at[wid], bits_v)
        pltpu.sync_copy(rep_hbm, src_v)

        def compact(i, n0):
            bits = bits_v[pl.ds(i * LANES, LANES)]
            pos = base + i * LANES + lax.iota(jnp.int32, LANES)
            m0 = bits == 0
            inc0 = jnp.cumsum(m0.astype(jnp.int32))
            inc1 = (lax.iota(jnp.int32, LANES) + 1) - inc0
            slot0 = n0 + inc0 - 1
            n1_before = i * LANES - n0
            slot1 = t_per_w - n1_before - inc1
            plsc.store_scatter(pos_v, [lax.shift_right_logical(slot0, shift),
                                       lax.bitwise_and(slot0, chunk - 1)],
                               pos, mask=m0)
            plsc.store_scatter(pos_v, [lax.shift_right_logical(slot1, shift),
                                       lax.bitwise_and(slot1, chunk - 1)],
                               pos, mask=jnp.logical_not(m0))
            return n0 + (LANES - jnp.sum(bits))

        n0 = lax.fori_loop(0, t_per_w // LANES, compact, jnp.int32(0))

        def scatter(c, carry):
            r_c = lax.clamp(jnp.int32(0), n0 - c * chunk, jnp.int32(chunk))
            pltpu.make_async_copy(
                src_v.at[pl.ds(chunk - r_c, chunk)],
                out_hbm.at[pos_v.at[c]], sem_s).start()
            return carry

        lax.fori_loop(0, nch, scatter, 0)

        def drain(c, carry):
            pltpu.make_async_copy(
                src_v.at[pl.ds(0, chunk)], out_hbm.at[pos_v.at[0]],
                sem_s).wait()
            return carry

        lax.fori_loop(0, nch, drain, 0)

    mesh = plsc.VectorSubcoreMesh(core_axis_name="c", subcore_axis_name="s")
    return pl.kernel(
        body,
        out_type=jax.ShapeDtypeStruct((n_tokens, 8, D_MODEL // 8),
                                      jnp.float32),
        mesh=mesh,
        scratch_types=[
            pltpu.VMEM((t_per_w,), jnp.int32),
            pltpu.VMEM((nch, chunk), jnp.int32),
            pltpu.VMEM((2 * chunk, 8, D_MODEL // 8), jnp.float32),
            pltpu.SemaphoreType.DMA,
        ],
        compiler_params=pltpu.CompilerParams(needs_layout_passes=False),
    )


def _tc_body(bits_ref, w_ref, out_ref):
    mask = bits_ref[...] == 0
    out_ref[...] = jnp.where(mask, w_ref[0:1, :], w_ref[1:2, :])


def _tc_lookup(bits, w):
    return pl.pallas_call(
        _tc_body,
        out_shape=jax.ShapeDtypeStruct((N_TC, D_MODEL), jnp.float32),
        grid=(N_TC // TB,),
        in_specs=[
            pl.BlockSpec((TB, 1), lambda i: (i, 0)),
            pl.BlockSpec((2, D_MODEL), lambda i: (0, 0)),
        ],
        out_specs=pl.BlockSpec((TB, D_MODEL), lambda i: (i, 0)),
        compiler_params=pltpu.CompilerParams(
            dimension_semantics=("arbitrary",)),
    )(bits, w)


@functools.partial(jax.jit, static_argnums=())
def kernel(x_bits, embed_weight):
    bits = x_bits.reshape(-1).astype(jnp.int32)
    w = embed_weight.astype(jnp.float32)
    chunk = min(CHUNK, N_SC // NW)
    rep = jnp.repeat(w, chunk, axis=0).reshape(2 * chunk, 8, D_MODEL // 8)

    sc_bits = bits[:N_SC].reshape(NW, N_SC // NW)
    out_sc = _make_sc_lookup(N_SC)(rep, sc_bits).reshape(N_SC, D_MODEL)
    out_tc = _tc_lookup(bits[N_SC:].reshape(N_TC, 1), w)

    out = jnp.concatenate([out_sc, out_tc], axis=0)
    return out.reshape(x_bits.shape[0], x_bits.shape[1], D_MODEL)

# --- scband reference (transcript-rebuilt; emitter-appended) ---
"""Pipeline reference for scband-bit-embedding-56006373539991 (READ-ONLY COPY).

The authoritative reference and input builder live on the scoring server;
editing this copy changes nothing except your own understanding.
"""

import jax, jax.numpy as jnp
import numpy as np

D_MODEL = 1024
BATCH = 4
SEQ_LEN = 8192

def setup_inputs(seed: int = 0) -> dict:
    key = jax.random.key(seed)
    k1, k2 = jax.random.split(key)
    x_bits = jax.random.randint(k1, (BATCH, SEQ_LEN), 0, 2, dtype=jnp.int64 if jax.config.jax_enable_x64 else jnp.int32)
    # nn.Embedding default init: N(0, 1)
    embed_weight = jax.random.normal(k2, (2, D_MODEL), dtype=jnp.float32)
    return {"x_bits": x_bits, "embed_weight": embed_weight}

def reference(x_bits, embed_weight):
    # Faithful translation of nn.Embedding lookup: out[b, s, :] = W[x_bits[b, s], :]
    return jnp.take(embed_weight, x_bits, axis=0)

if __name__ == "__main__":
    import jax
    _d = setup_inputs()
    print(jax.jit(kernel)(*tuple(_d.values())))

</pallas_src>

<mosaic_0001>
#map = affine_map<(d0, d1) -> (0, 0, 0)>
#map1 = affine_map<(d0, d1) -> (0, 0)>
module attributes {stable_mosaic.version = 14 : i64} {
  func.func @body(%arg0: i32, %arg1: i32, %arg2: memref<64x8x128xf32, #tpu.memory_space<hbm>>, %arg3: memref<32x32xi32, #tpu.memory_space<hbm>>, %arg4: memref<1024x8x128xf32, #tpu.memory_space<hbm>>, %arg5: memref<32xi32, #tpu.memory_space<vmem>>, %arg6: memref<1x32xi32, #tpu.memory_space<vmem>>, %arg7: memref<64x8x128xf32, #tpu.memory_space<vmem>>, %arg8: memref<!tpu.dma_semaphore, #tpu.memory_space<semaphore_mem>>) attributes {dimension_semantics = [#tpu.dimension_semantics<core_parallel>, #tpu.dimension_semantics<subcore_parallel>], iteration_bounds = array<i64: 2, 16>, scalar_prefetch = 0 : i64, scratch_operands = 4 : i64, tpu.core_type = #tpu.core_type<sc_vector_subcore>, window_params = [{transform_indices = #map}, {transform_indices = #map1}, {transform_indices = #map}]} {
    %mul3A = arith.constant 2 : i32
    %mul3A_0 = arith.muli %arg1, %mul3A : i32
    %add3A = arith.addi %mul3A_0, %arg0 : i32
    %mul3A_1 = arith.constant 32 : i32
    %mul3A_2 = arith.muli %add3A, %mul3A_1 : i32
    "tpu.region"() ({
      %run_scoped3A = tpu.sem_alloc : memref<!tpu.dma_semaphore, #tpu.memory_space<semaphore_mem>>
      %dma_start3A_42 = arith.constant 0 : i32
      %dma_start3A_43 = tpu.memref_slice %arg3[%add3A, %dma_start3A_42] : memref<32x32xi32, #tpu.memory_space<hbm>> -> memref<1x32xi32, #tpu.memory_space<hbm>>
      %dma_start3A_44 = tpu.memref_squeeze %dma_start3A_43 : memref<1x32xi32, #tpu.memory_space<hbm>> -> memref<32xi32, #tpu.memory_space<hbm>>
      %dma_start3A_45 = arith.constant 0 : i32
      %dma_start3A_46 = tpu.memref_slice %arg3[%add3A, %dma_start3A_45] : memref<32x32xi32, #tpu.memory_space<hbm>> -> memref<1x32xi32, #tpu.memory_space<hbm>>
      %dma_start3A_47 = tpu.memref_squeeze %dma_start3A_46 : memref<1x32xi32, #tpu.memory_space<hbm>> -> memref<32xi32, #tpu.memory_space<hbm>>
      tpu.enqueue_dma source(%dma_start3A_47 : memref<32xi32, #tpu.memory_space<hbm>>) target(%arg5 : memref<32xi32, #tpu.memory_space<vmem>>) target_semaphore(%run_scoped3A : memref<!tpu.dma_semaphore, #tpu.memory_space<semaphore_mem>>)
      %dma_wait3A_48 = arith.constant 0 : i32
      %dma_wait3A_49 = tpu.memref_slice %arg3[%add3A, %dma_wait3A_48] : memref<32x32xi32, #tpu.memory_space<hbm>> -> memref<1x32xi32, #tpu.memory_space<hbm>>
      %dma_wait3A_50 = tpu.memref_squeeze %dma_wait3A_49 : memref<1x32xi32, #tpu.memory_space<hbm>> -> memref<32xi32, #tpu.memory_space<hbm>>
      %dma_wait3A_51 = arith.constant 0 : i32
      %dma_wait3A_52 = tpu.memref_slice %arg3[%add3A, %dma_wait3A_51] : memref<32x32xi32, #tpu.memory_space<hbm>> -> memref<1x32xi32, #tpu.memory_space<hbm>>
      %dma_wait3A_53 = tpu.memref_squeeze %dma_wait3A_52 : memref<1x32xi32, #tpu.memory_space<hbm>> -> memref<32xi32, #tpu.memory_space<hbm>>
      tpu.wait_dma2 semaphore(%run_scoped3A : memref<!tpu.dma_semaphore, #tpu.memory_space<semaphore_mem>>) src(%dma_wait3A_53 : memref<32xi32, #tpu.memory_space<hbm>>) dst(%arg5 : memref<32xi32, #tpu.memory_space<vmem>>)
      tpu.yield
    }) : () -> ()
    "tpu.region"() ({
      %run_scoped3A = tpu.sem_alloc : memref<!tpu.dma_semaphore, #tpu.memory_space<semaphore_mem>>
      tpu.enqueue_dma source(%arg2 : memref<64x8x128xf32, #tpu.memory_space<hbm>>) target(%arg7 : memref<64x8x128xf32, #tpu.memory_space<vmem>>) target_semaphore(%run_scoped3A : memref<!tpu.dma_semaphore, #tpu.memory_space<semaphore_mem>>)
      tpu.wait_dma2 semaphore(%run_scoped3A : memref<!tpu.dma_semaphore, #tpu.memory_space<semaphore_mem>>) src(%arg2 : memref<64x8x128xf32, #tpu.memory_space<hbm>>) dst(%arg7 : memref<64x8x128xf32, #tpu.memory_space<vmem>>)
      tpu.yield
    }) : () -> ()
    %scan3A = arith.constant 0 : i32
    %scan3A_3 = arith.constant 0 : i32
    %scan3A_4 = arith.constant 2 : i32
    %scan3A_5 = arith.addi %scan3A_3, %scan3A_4 : i32
    %scan3A_6 = arith.constant 1 : i32
    %scan3A_7 = scf.for %scan3A_42 = %scan3A_3 to %scan3A_5 step %scan3A_6 iter_args(%scan3A_43 = %scan3A) -> (i32)  : i32 {
      %mul3A_44 = arith.constant 16 : i32
      %mul3A_45 = arith.muli %scan3A_42, %mul3A_44 : i32
      %get3A = arith.index_cast %mul3A_45 : i32 to index
      %get3A_46 = tpu.vector_load %arg5[%get3A] {strides = array<i32>} : memref<32xi32, #tpu.memory_space<vmem>>, vector<16xi32>,
      %mul3A_47 = arith.constant 16 : i32
      %mul3A_48 = arith.muli %scan3A_42, %mul3A_47 : i32
      %add3A_49 = arith.addi %mul3A_2, %mul3A_48 : i32
      %iota3A = tpu.iota {dimensions = array<i32: 0>} : vector<16xi32>
      %add3A_50 = vector.broadcast %add3A_49 : i32 to vector<16xi32>
      %add3A_51 = arith.addi %add3A_50, %iota3A : vector<16xi32>
      %eq3A = arith.constant 0 : i32
      %eq3A_52 = vector.broadcast %eq3A : i32 to vector<16xi32>
      %eq3A_53 = arith.cmpi eq, %get3A_46, %eq3A_52 : vector<16xi32>
      %convert_element_type3A = arith.extui %eq3A_53 : vector<16xi1> to vector<16xi32>
      %cumsum3A = arith.constant true
      %cumsum3A_54 = vector.broadcast %cumsum3A : i1 to vector<16xi1>
      %cumsum3A_55 = tpu.scan <sum>, %convert_element_type3A masked %cumsum3A_54 : vector<16xi32>, vector<16xi1> -> vector<16xi32>
      %iota3A_56 = tpu.iota {dimensions = array<i32: 0>} : vector<16xi32>
      %add3A_57 = arith.constant 1 : i32
      %add3A_58 = vector.broadcast %add3A_57 : i32 to vector<16xi32>
      %add3A_59 = arith.addi %iota3A_56, %add3A_58 : vector<16xi32>
      %sub3A_60 = arith.subi %add3A_59, %cumsum3A_55 : vector<16xi32>
      %add3A_61 = vector.broadcast %scan3A_43 : i32 to vector<16xi32>
      %add3A_62 = arith.addi %add3A_61, %cumsum3A_55 : vector<16xi32>
      %sub3A_63 = arith.constant 1 : i32
      %sub3A_64 = vector.broadcast %sub3A_63 : i32 to vector<16xi32>
      %sub3A_65 = arith.subi %add3A_62, %sub3A_64 : vector<16xi32>
      %mul3A_66 = arith.constant 16 : i32
      %mul3A_67 = arith.muli %scan3A_42, %mul3A_66 : i32
      %sub3A_68 = arith.subi %mul3A_67, %scan3A_43 : i32
      %sub3A_69 = arith.constant 32 : i32
      %sub3A_70 = arith.subi %sub3A_69, %sub3A_68 : i32
      %sub3A_71 = vector.broadcast %sub3A_70 : i32 to vector<16xi32>
      %sub3A_72 = arith.subi %sub3A_71, %sub3A_60 : vector<16xi32>
      %shift_right_logical3A = arith.constant 5 : i32
      %shift_right_logical3A_73 = vector.broadcast %shift_right_logical3A : i32 to vector<16xi32>
      %shift_right_logical3A_74 = arith.shrui %sub3A_65, %shift_right_logical3A_73 : vector<16xi32>
      %and3A = arith.constant 31 : i32
      %and3A_75 = vector.broadcast %and3A : i32 to vector<16xi32>
      %and3A_76 = arith.andi %sub3A_65, %and3A_75 : vector<16xi32>
      tpu.vector_store_idx %arg6[%shift_right_logical3A_74, %and3A_76], %add3A_51 masked %eq3A_53 : memref<1x32xi32, #tpu.memory_space<vmem>>[vector<16xi32>, vector<16xi32>], vector<16xi32>, vector<16xi1>
      %shift_right_logical3A_77 = arith.constant 5 : i32
      %shift_right_logical3A_78 = vector.broadcast %shift_right_logical3A_77 : i32 to vector<16xi32>
      %shift_right_logical3A_79 = arith.shrui %sub3A_72, %shift_right_logical3A_78 : vector<16xi32>
      %and3A_80 = arith.constant 31 : i32
      %and3A_81 = vector.broadcast %and3A_80 : i32 to vector<16xi32>
      %and3A_82 = arith.andi %sub3A_72, %and3A_81 : vector<16xi32>
      %not3A = arith.constant dense<true> : vector<16xi1>
      %not3A_83 = arith.xori %eq3A_53, %not3A : vector<16xi1>
      tpu.vector_store_idx %arg6[%shift_right_logical3A_79, %and3A_82], %add3A_51 masked %not3A_83 : memref<1x32xi32, #tpu.memory_space<vmem>>[vector<16xi32>, vector<16xi32>], vector<16xi32>, vector<16xi1>
      %reduce_sum3A = arith.constant true
      %reduce_sum3A_84 = vector.broadcast %reduce_sum3A : i1 to vector<16xi1>
      %reduce_sum3A_85 = tpu.scan <sum>, %get3A_46 masked %reduce_sum3A_84 : vector<16xi32>, vector<16xi1> -> vector<16xi32>
      %reduce_sum3A_86 = vector.extract %reduce_sum3A_85[15] : i32 from vector<16xi32>
      %sub3A_87 = arith.constant 16 : i32
      %sub3A_88 = arith.subi %sub3A_87, %reduce_sum3A_86 : i32
      %add3A_89 = arith.addi %scan3A_43, %sub3A_88 : i32
      scf.yield %add3A_89 : i32
    }
    %scan3A_8 = arith.constant 2 : i32
    %scan3A_9 = arith.constant 0 : i32
    %scan3A_10 = arith.constant 0 : i32
    %mul3A_11 = arith.constant 32 : i32
    %mul3A_12 = arith.muli %scan3A_10, %mul3A_11 : i32
    %sub3A = arith.subi %scan3A_7, %mul3A_12 : i32
    %clamp3A = arith.constant 0 : i32
    %clamp3A_13 = arith.constant 32 : i32
    %clamp3A_14 = arith.maxsi %sub3A, %clamp3A : i32
    %clamp3A_15 = arith.minsi %clamp3A_14, %clamp3A_13 : i32
    %sub3A_16 = arith.constant 32 : i32
    %sub3A_17 = arith.subi %sub3A_16, %clamp3A_15 : i32
    %dma_start3A = arith.constant 0 : i32
    %dma_start3A_18 = arith.constant 0 : i32
    %dma_start3A_19 = tpu.memref_slice %arg7[%sub3A_17, %dma_start3A, %dma_start3A_18] : memref<64x8x128xf32, #tpu.memory_space<vmem>> -> memref<32x8x128xf32, #tpu.memory_space<vmem>>
    %dma_start3A_20 = arith.constant 0 : i32
    %dma_start3A_21 = tpu.memref_slice %arg6[%scan3A_10, %dma_start3A_20] : memref<1x32xi32, #tpu.memory_space<vmem>> -> memref<1x32xi32, #tpu.memory_space<vmem>>
    %dma_start3A_22 = tpu.memref_squeeze %dma_start3A_21 : memref<1x32xi32, #tpu.memory_space<vmem>> -> memref<32xi32, #tpu.memory_space<vmem>>
    %dma_start3A_23 = arith.constant 0 : i32
    %dma_start3A_24 = arith.constant 0 : i32
    %dma_start3A_25 = arith.constant 0 : i32
    %dma_start3A_26 = tpu.memref_slice %arg4[%dma_start3A_23, %dma_start3A_24, %dma_start3A_25] : memref<1024x8x128xf32, #tpu.memory_space<hbm>> -> memref<1024x8x128xf32, #tpu.memory_space<hbm>>
    tpu.enqueue_indirect_dma source(%dma_start3A_19 : memref<32x8x128xf32, #tpu.memory_space<vmem>>) target(%dma_start3A_26 : memref<1024x8x128xf32, #tpu.memory_space<hbm>>) offsets(%dma_start3A_22 : memref<32xi32, #tpu.memory_space<vmem>>) semaphore(%arg8 : memref<!tpu.dma_semaphore, #tpu.memory_space<semaphore_mem>>)
    %scan3A_27 = arith.constant 1 : i32
    %scan3A_28 = arith.constant 0 : i32
    %scan3A_29 = arith.constant 0 : i32
    %dma_wait3A = arith.constant 0 : i32
    %dma_wait3A_30 = arith.constant 0 : i32
    %dma_wait3A_31 = arith.constant 0 : i32
    %dma_wait3A_32 = arith.constant 0 : i32
    %dma_wait3A_33 = tpu.memref_slice %arg7[%dma_wait3A_30, %dma_wait3A_31, %dma_wait3A_32] : memref<64x8x128xf32, #tpu.memory_space<vmem>> -> memref<32x8x128xf32, #tpu.memory_space<vmem>>
    %dma_wait3A_34 = arith.constant 0 : i32
    %dma_wait3A_35 = tpu.memref_slice %arg6[%dma_wait3A, %dma_wait3A_34] : memref<1x32xi32, #tpu.memory_space<vmem>> -> memref<1x32xi32, #tpu.memory_space<vmem>>
    %dma_wait3A_36 = tpu.memref_squeeze %dma_wait3A_35 : memref<1x32xi32, #tpu.memory_space<vmem>> -> memref<32xi32, #tpu.memory_space<vmem>>
    %dma_wait3A_37 = arith.constant 0 : i32
    %dma_wait3A_38 = arith.constant 0 : i32
    %dma_wait3A_39 = arith.constant 0 : i32
    %dma_wait3A_40 = tpu.memref_slice %arg4[%dma_wait3A_37, %dma_wait3A_38, %dma_wait3A_39] : memref<1024x8x128xf32, #tpu.memory_space<hbm>> -> memref<1024x8x128xf32, #tpu.memory_space<hbm>>
    tpu.wait_indirect_dma semaphore(%arg8 : memref<!tpu.dma_semaphore, #tpu.memory_space<semaphore_mem>>) src(%dma_wait3A_33 : memref<32x8x128xf32, #tpu.memory_space<vmem>>) dst(%dma_wait3A_40 : memref<1024x8x128xf32, #tpu.memory_space<hbm>>)
    %scan3A_41 = arith.constant 1 : i32
    return
  }
}

module attributes {stable_mosaic.version = 14 : i64} {
  func.func @_tc_body(%arg0: i32, %arg1: memref<512x1xi32, #tpu.memory_space<vmem>>, %arg2: memref<2x1024xf32, #tpu.memory_space<vmem>>, %arg3: memref<512x1024xf32, #tpu.memory_space<vmem>>) attributes {dimension_semantics = [#tpu.dimension_semantics<arbitrary>], iteration_bounds = array<i64: 62>, scalar_prefetch = 0 : i64, scratch_operands = 0 : i64, tpu.core_type = #tpu.core_type<tc>, window_params = [{transform_indices = @transform_0, window_bounds = array<i64: 512, 1>}, {pipeline_mode = #tpu.pipeline_mode<synchronous>, transform_indices = @transform_1, window_bounds = array<i64: 2, 1024>}, {transform_indices = @transform_2, window_bounds = array<i64: 512, 1024>}]} {
    %get3A = arith.constant 0 : index
    %get3A_0 = arith.constant 0 : index
    %get3A_1 = vector.load %arg1[%get3A, %get3A_0] : memref<512x1xi32, #tpu.memory_space<vmem>>, vector<512x1xi32>
    %eq3A = arith.constant 0 : i32
    %eq3A_2 = vector.broadcast %eq3A : i32 to vector<512x1xi32>
    %eq3A_3 = arith.cmpi eq, %get3A_1, %eq3A_2 : vector<512x1xi32>
    %get3A_4 = arith.constant 0 : index
    %get3A_5 = arith.constant 0 : index
    %get3A_6 = vector.load %arg2[%get3A_4, %get3A_5] : memref<2x1024xf32, #tpu.memory_space<vmem>>, vector<1x1024xf32>
    %get3A_7 = arith.constant 1 : index
    %get3A_8 = arith.constant 0 : index
    %get3A_9 = vector.load %arg2[%get3A_7, %get3A_8] : memref<2x1024xf32, #tpu.memory_space<vmem>>, vector<1x1024xf32>
    %broadcast_in_dim3A = vector.shape_cast %eq3A_3 : vector<512x1xi1> to vector<512x1xi1>
    %broadcast_in_dim3A_10 = vector.broadcast %broadcast_in_dim3A : vector<512x1xi1> to vector<512x1024xi1>
    %broadcast_in_dim3A_11 = vector.shape_cast %get3A_6 : vector<1x1024xf32> to vector<1x1024xf32>
    %broadcast_in_dim3A_12 = vector.broadcast %broadcast_in_dim3A_11 : vector<1x1024xf32> to vector<512x1024xf32>
    %broadcast_in_dim3A_13 = vector.shape_cast %get3A_9 : vector<1x1024xf32> to vector<1x1024xf32>
    %broadcast_in_dim3A_14 = vector.broadcast %broadcast_in_dim3A_13 : vector<1x1024xf32> to vector<512x1024xf32>
    %select_n3A = arith.select %broadcast_in_dim3A_10, %broadcast_in_dim3A_12, %broadcast_in_dim3A_14 : vector<512x1024xi1>, vector<512x1024xf32>
    %swap3A = arith.constant 0 : index
    %swap3A_15 = arith.constant 0 : index
    %swap3A_16 = vector.load %arg3[%swap3A, %swap3A_15] : memref<512x1024xf32, #tpu.memory_space<vmem>>, vector<512x1024xf32>
    tpu.vector_store %arg3[%swap3A, %swap3A_15], %select_n3A {strides = array<i32>} : memref<512x1024xf32, #tpu.memory_space<vmem>>, vector<512x1024xf32>,
    return
  }
  func.func @transform_0(%arg0: i32) -> (i32, i32) {
    %c0_i32 = arith.constant 0 : i32
    %c0_i32_0 = arith.constant 0 : i32
    return %arg0, %c0_i32 : i32, i32
  }
  func.func @transform_1(%arg0: i32) -> (i32, i32) {
    %c0_i32 = arith.constant 0 : i32
    %c0_i32_0 = arith.constant 0 : i32
    %c0_i32_1 = arith.constant 0 : i32
    return %c0_i32, %c0_i32_0 : i32, i32
  }
  func.func @transform_2(%arg0: i32) -> (i32, i32) {
    %c0_i32 = arith.constant 0 : i32
    %c0_i32_0 = arith.constant 0 : i32
    return %arg0, %c0_i32 : i32, i32
  }
}

</mosaic_0001>

<sc_bundles>
// kernel: kernel.4.cloned.1.call-start
scs
__scs_entry_jumppad:
0x0: {  	(pc) =	sbr.rel $0x88, $3  }
0x1: {  	(tag) =	ssettag $0x0;
	lr =	simm.s32 $0x1  }
0x2: {  	[smem:$0x3F9F] =	sst lr;
	_ =	strace $0xD0000000  }
0x3: {  	_ = 	snop  }
0x4: {  	_ = 	snop  }
0x5: {  	_ = 	snop  }
0x6: {  	_ = 	snop  }
0x7: {  	_ = 	snop  }
__scs_overlays_trampoline_lowered:
0x8: {  	[smem:$0x3FAE] =	sst s0  }
0x9: {  	[smem:$0x3FAF] =	sst s1  }
0xa: {  	[smem:$0x3FB0] =	sst s2  }
0xb: {  	[smem:$0x3FB1] =	sst s3  }
0xc: {  	[smem:$0x3FB2] =	sst s4  }
0xd: {  	[smem:$0x3FB3] =	sst s5  }
0xe: {  	[smem:$0x3FB4] =	sst s6  }
0xf: {  	[smem:$0x3FB5] =	sst s7  }
0x10: {  	[smem:$0x3FB6] =	sst s8  }
0x11: {  	[smem:$0x3FB7] =	sst s9;
	s0 =	simm.s32 @!p0 $0x0  }
0x12: {  	s1 =	sld [smem:$0x3F9D];
	s0 =	simm.s32 @p0 $0x1  }
0x13: {  	[smem:$0x3FB8] =	sst s0;
	s0 =	simm.s32 @!p1 $0x0  }
0x14: {  	s2 =	sld [smem:$0x3F9C];
	s0 =	simm.s32 @p1 $0x1  }
0x15: {  	[smem:$0x3FB9] =	sst s0;
	s0 =	simm.s32 @!p2 $0x0  }
0x16: {  	s3 =	sld [smem:$0x3FDB];
	s0 =	simm.s32 @p2 $0x1  }
0x17: {  	s4 =	simm.s32 $0x1BF5;
	[smem:$0x3FBB] =	sst s0  }
0x18: {  	s0 =	sld [smem:$0x3F9E];
	_ =	swait.ge [sflag:s4], $0x0  }
0x19: {  	s7 =	sld [smem:$0x3F9F]  }
0x1a: {  	s8 =	sadd.s32 $0xFFFFE003, lr  }
0x1b: {  	s9 =	sadd.s32 $0xFFFFFEF7, lr;
	s5 =	simm.s32 $0xFFFFFFFF;
	p2 =	slt.u32 s8, $0xFFFFF086  }
0x1c: {  	p1 =	slt.u32 s9, $0xF7A;
	s5 =	simm.s32 @!p2 $0x0  }
0x1d: {  	s5 =	simm.s32 @p1 $0x1;
	p0 =	seq.s32 s7, s2  }
0x1e: {  	s7 =	smul.u32 @!p0 $0xF7A, s2;
	p2 =	seq.s32 @!p0 s5, $0x0  }
0x1f: {  	s9 =	smul.u32 $0xF7A, s1;
	s8 =	simm.s32 @!p0 $0x1BF5;
	p2 =	por !p2, p0  }
0x20: {  	[sflag:s8] =	ssyncset.s32 @!p0 $0xFFFFF086;
	s6 =	sadd.s32 @!p0 s3, s7;
	s7 =	simm.s32 @!p0 $0x108  }
0x21: {  	s3 =	sadd.s32 s3, s9;
	s6 =	sadd.s32 @!p0 $0x88, s6;
	s7 =	simm.s32 @p2 $0x1082  }
0x22: {  	[simem:s7], [sflag:s8] =	dma.local @!p0 [hbm:s6], $0xF7A  }
0x23: {  	s9 =	sor.u32 $0xD0000000, s2;
	s6 =	simm.s32 $0x108;
	_ =	swait.ge @!p0 [sflag:s8], $0x0  }
0x24: {  	s3 =	sadd.s32 $0x88, s3;
	s6 =	simm.s32 @!p1 $0x1082;
	[sflag:s4] =	ssyncset.s32 $0xFFFFF086  }
0x25: {  	[simem:s6], [sflag:s4] =	dma.local [hbm:s3], $0xF7A  }
0x26: {  	[smem:$0x3F9F] =	sst s1;
	(tag) =	ssettag s2;
	_ =	strace s9  }
0x27: {  	s1 =	sld [smem:$0x3FAF]  }
0x28: {  	s2 =	sld [smem:$0x3FB0]  }
0x29: {  	s4 =	sld [smem:$0x3FB2]  }
0x2a: {  	p0 =	seq.s32 s5, $0x0;
	s5 =	sld [smem:$0x3FB3]  }
0x2b: {  	s6 =	sld [smem:$0x3FB4]  }
0x2c: {  	s7 =	sld [smem:$0x3FB5]  }
0x2d: {  	s3 =	simm.s32 $0x108;
	s8 =	sld [smem:$0x3FB6]  }
0x2e: {  	s3 =	simm.s32 @!p0 $0x1082;
	s9 =	sld [smem:$0x3FB7]  }
0x2f: {  	lr =	sadd.s32 s0, s3;
	s0 =	sld [smem:$0x3FAE]  }
0x30: {  	s3 =	sld [smem:$0x3FB1]  }
0x31: {  	[smem:$0x3FBA] =	sst s10  }
0x32: {  	s10 =	sld [smem:$0x3FB8];
	_ =	sdelay $0x3  }
0x33: {  	p0 =	seq.s32 s10, $0x1;
	s10 =	sld [smem:$0x3FBA];
	_ =	sdelay $0x3  }
0x34: {  	[smem:$0x3FBA] =	sst s10  }
0x35: {  	s10 =	sld [smem:$0x3FB9];
	_ =	sdelay $0x3  }
0x36: {  	p1 =	seq.s32 s10, $0x1;
	s10 =	sld [smem:$0x3FBA];
	_ =	sdelay $0x3  }
0x37: {  	[smem:$0x3FBA] =	sst s10  }
0x38: {  	s10 =	sld [smem:$0x3FBB]  }
0x39: {  	_ = 	snop;
	(pc) =	sbr.ind lr, $3  }
0x3a: {  	_ = 	snop  }
0x3b: {  	_ = 	snop  }
0x3c: {  	p2 =	seq.s32 s10, $0x1;
	s10 =	sld [smem:$0x3FBA]  }
0x3d: {  	_ =	shalt  }
0x3e: {  	_ =	shalt  }
0x3f: {  	_ =	shalt  }
0x40: {  	_ =	shalt  }
0x41: {  	_ =	shalt  }
0x42: {  	_ =	shalt  }
0x43: {  	_ =	shalt  }
0x44: {  	_ =	shalt  }
0x45: {  	_ =	shalt  }
0x46: {  	_ =	shalt  }
0x47: {  	_ =	shalt  }
0x48: {  	_ =	shalt  }
0x49: {  	_ =	shalt  }
0x4a: {  	_ =	shalt  }
0x4b: {  	_ =	shalt  }
0x4c: {  	_ =	shalt  }
0x4d: {  	_ =	shalt  }
0x4e: {  	_ =	shalt  }
0x4f: {  	_ =	shalt  }
0x50: {  	_ =	shalt  }
0x51: {  	_ =	shalt  }
0x52: {  	_ =	shalt  }
0x53: {  	_ =	shalt  }
0x54: {  	_ =	shalt  }
0x55: {  	_ =	shalt  }
0x56: {  	_ =	shalt  }
0x57: {  	_ =	shalt  }
0x58: {  	_ =	shalt  }
0x59: {  	_ =	shalt  }
0x5a: {  	_ =	shalt  }
0x5b: {  	_ =	shalt  }
0x5c: {  	_ =	shalt  }
0x5d: {  	_ =	shalt  }
0x5e: {  	_ =	shalt  }
0x5f: {  	_ =	shalt  }
0x60: {  	_ =	shalt  }
0x61: {  	_ =	shalt  }
0x62: {  	_ =	shalt  }
0x63: {  	_ =	shalt  }
0x64: {  	_ =	shalt  }
0x65: {  	_ =	shalt  }
0x66: {  	_ =	shalt  }
0x67: {  	_ =	shalt  }
0x68: {  	_ =	shalt  }
0x69: {  	_ =	shalt  }
0x6a: {  	_ =	shalt  }
0x6b: {  	_ =	shalt  }
0x6c: {  	_ =	shalt  }
0x6d: {  	_ =	shalt  }
0x6e: {  	_ =	shalt  }
0x6f: {  	_ =	shalt  }
0x70: {  	_ =	shalt  }
0x71: {  	_ =	shalt  }
0x72: {  	_ =	shalt  }
0x73: {  	_ =	shalt  }
0x74: {  	_ =	shalt  }
0x75: {  	_ =	shalt  }
0x76: {  	_ =	shalt  }
0x77: {  	_ =	shalt  }
0x78: {  	_ =	shalt  }
0x79: {  	_ =	shalt  }
0x7a: {  	_ =	shalt  }
0x7b: {  	_ =	shalt  }
0x7c: {  	_ =	shalt  }
0x7d: {  	_ =	shalt  }
0x7e: {  	_ =	shalt  }
0x7f: {  	_ =	shalt  }
0x80: {  	_ =	shalt  }
0x81: {  	_ =	shalt  }
0x82: {  	_ =	shalt  }
0x83: {  	_ =	shalt  }
0x84: {  	_ =	shalt  }
0x85: {  	_ =	shalt  }
0x86: {  	_ =	shalt  }
0x87: {  	_ =	shalt  }
.Lfunc_end0:
.L_simem_size_0:
called_computation_lowered:
.L_overlay_start_0:
0x88: {  	s2 =	sld [smem:$0x3FD9]  }
0x89: {  	s3 =	sld [smem:$0x3FFE];
	_ =	sdelay $0x1  }
0x8a: {  	s1 =	srdreg.scid  }
0x8b: {  	s0 =	sand.u32 $0x1, s1  }
0x8c: {  	s17 =	sshll.u32 s0, $0xA;
	s2 =	sadd.s32 s3, s2  }
0x8d: {  	s2 =	sadd.s32 s2, s17  }
0x8e: {  	[smem:$0x3FC6] =	sst s2  }
0x8f: {  	_ = 	snop  }
0x90: {  	s2 =	sld [smem:$0x3FD0];
	(tm) =	ssettm $0x1  }
0x91: {  	s18 =	sld [smem:$0x3FFB];
	_ =	sdelay $0x3  }
0x92: {  	_ =	strace s18  }
0x93: {  	s3 =	sld [smem:$0x3FFC];
	_ =	sdelay $0x3  }
0x94: {  	_ =	strace s3  }
0x95: {  	s3 =	sld [smem:$0x3FFD];
	_ =	sdelay $0x3  }
0x96: {  	_ =	strace s3  }
0x97: {  	_ =	strace $0x8FFFFFFF  }
0x98: {  	s19 =	sld [smem:$0x3FDB];
	_ =	sdelay $0x1  }
0x99: {  	s4 =	simm.s32 $_scs_section_size  }
0x9a: {  	s5 =	simm.s32 $_size__tile_overlayer_lowered;
	s6 =	simm.s32 $_tile_overlayer_lowered  }
0x9b: {  	s22 =	simm.s32 $0x1BFF;
	s21 =	sshll.u32 s6, $0x1;
	s3 =	sadd.s32 s4, s19  }
0x9c: {  	s7 =	simm.s32 $0x0;
	s20 =	sshll.u32 s5, $0x1;
	s5 =	sadd.s32 s21, s3  }
0x9d: {  	[timem:s7], [sflag:s22] =	dma.local [hbm:s5], s20  }
0x9e: {  	_ =	swait.ge [sflag:s22], s20  }
0x9f: {  	s4 =	ssub.s32 $0x0, s20;
	[sflag:s22] =	ssyncset.done $0x0  }
0xa0: {  	[sflag:s22] =	ssyncadd.s32 s4;
	_ =	sdelay $0x1  }
0xa1: {  	s23 =	simm.s32 $0x1B8B  }
0xa2: {  	_ =	swait.ge [sflag:s23], $0x1  }
0xa3: {  	[sflag:s23] =	ssyncset.done $0x0  }
0xa4: {  	s25 =	simm.s32 $0x1B8E;
	s24 =	sld [smem:$0x3FFE];
	[sflag:s23] =	ssyncadd.s32 $0xFFFFFFFF  }
0xa5: {  	s26 =	simm.s32 $execute0_lowered;
	[smem:$0x3FD2] =	sst s25  }
0xa6: {  	s5 =	sshll.u32 s26, $0x1;
	_ =	strace $0x80000046;
	[dreg:$0x1] =	wrdreg $0xFFFFFFFF  }
0xa7: {  	s28 =	simm.s32 $_size_execute0_lowered;
	s3 =	sadd.s32 s3, s5;
	[dreg:$0x0] =	wrdreg $0x0  }
0xa8: {  	s5 =	sshll.u32 s28, $0x1;
	[dreg:$0x2] =	wrdreg s3  }
0xa9: {  	[dreg:$0x3] =	wrdreg s5  }
0xaa: {  	[dreg:$0x4] =	wrdreg $0xC0  }
0xab: {  	_ =	task [dreg:s7], $0x5FFFF  }
0xac: {  	[dreg:$0x1] =	wrdreg $0xFFFFFFFF  }
0xad: {  	[dreg:$0x0] =	wrdreg $0x60  }
0xae: {  	[dreg:$0x2] =	wrdreg s24  }
0xaf: {  	[dreg:$0x3] =	wrdreg s2  }
0xb0: {  	[dreg:$0x4] =	wrdreg $0x9  }
0xb1: {  	_ =	task.clear_ibuf [dreg:s7], $0x5FFFF;
	_ =	strace $0x90000046  }
0xb2: {  	s29 =	simm.s32 $0x9;
	_ =	strace $0x80000048  }
0xb3: {  	_ =	swait.ge [sflag:s29], $0x1  }
0xb4: {  	[sflag:s29] =	ssyncadd.s32 $0xFFFFFFFF  }
0xb5: {  	_ =	strace $0x90000048  }
0xb6: {  	_ =	sfence  }
0xb7: {  	s30 =	sld [smem:$0x0];
	_ =	sdelay $0x2  }
0xb8: {  	s31 =	sshll.u32 s1, $0xD;
	s1 =	sshrl.u32 s1, $0x2  }
0xb9: {  	s3 =	sand.u32 $0x4000, s31;
	s1 =	sadd.s32 s1, s30  }
0xba: {  	s0 =	sor.u32 s3, s0;
	s1 =	sshll.u32 s1, $0x11  }
0xbb: {  	s0 =	sor.u32 s1, s0  }
0xbc: {  	s0 =	sadd.s32 $0x8F2B, s0  }
0xbd: {  	[sflag:s0] =	ssyncadd.remote.s32 $0x1  }
0xbe: {  	_ =	sfence.sel $0xFFFF  }
0xbf: {  	[dreg:$0x0] =	wrdreg $0xFFFFFFFF;
	(pc) =	sbr.abs _section_cstart, $3  }
0xc0: {  	[dreg:$0x1] =	wrdreg $0xFFFFFFFF  }
0xc1: {  	_ =	task.clear_ibuf [dreg:s7], $0x2FFFF;
	_ =	strace $0x9FFFFFFF  }
0xc2: {  	(tm) =	ssettm $0x7FFFFFFF  }
0xc3: {  	_ =	shalt  }
tec
execute0_lowered:
.L_overlay_start_1:
0x0: {  	(tag) =	ssettag $0x1  }
0x1: {  	s1 =	srdreg.scid;
	s0 =	stileid.u32  }
0x2: {  	s9 =	sand.u32 $0x1, s1;
	s24 =	sshll.u32 s0, $0x1  }
0x3: {  	s6 =	rddreg [dreg:$0x0];
	s8 =	sor.u32 s9, s24  }
0x4: {  	s2 =	rddreg [dreg:$0x1];
	s3 =	simm.s32 $0x0;
	s4 =	sshll.u32 s8, $0x4  }
0x5: {  	s5 =	simm.s32 $0x2;
	[smem:$0x7FF] =	sst s3;
	s4 =	sadd.s32 s4, s6  }
0x6: {  	s1 =	rddreg [dreg:$0x2];
	_ =	strace $0x80000047;
	s4 =	sadd.s32 $0x200, s4  }
0x7: {  	[tilespmem:s3], [sflag:$0x2] =	stream.linear.gather [hbm4b:s4+s3], $0x80, $0x38;
	[tilespmem:$0x10100] =	vst v63  }
0x8: {  	_ =	swait.ge [sflag:s5], $0x80  }
0x9: {  	[sflag:s5] =	ssyncset.done $0x0  }
0xa: {  	s7 =	simm.s32 $0x100;
	s6 =	sadd.s32 $0x400, s6;
	[sflag:s5] =	ssyncadd.s32 $0xFFFFFF80  }
0xb: {  	[tilespmem:s7], [sflag:$0x2] =	stream.linear.gather [hbm4b:s6+s3], $0x10000, $0x38;
	[tilespmem:$0x10100] =	vst v63  }
0xc: {  	_ =	swait.ge [sflag:s5], $0x10000  }
0xd: {  	[sflag:s5] =	ssyncset.done $0x0  }
0xe: {  	[sflag:s5] =	ssyncadd.s32 $0xFFFF0000  }
0xf: {  	v2 =	vld [tilespmem:$0x0];
	_ =	sdelay $0x4  }
0x10: {  	v0 =	vimm.s32 $0x0;
	vm0 =	veq.s32 v2, $0x0  }
0x11: {  	(xrf0) =	vadd.scan.msk.s32 $0xffff, v2;
	v1 =	vsel vm0, $0x1, v0  }
0x12: {  	(xrf0) =	vadd.scan.msk.s32 $0xffff, v1;
	_ =	sdelay $0x3  }
0x13: {  	v4 =	vlaneseq.u32  }
0x14: {  	v3 =	vmul.u32 $0xFFFFFFFF, v4;
	v5, _, _ =	vpop (xrf0)  }
0x15: {  	v6, _, _ =	vpop (xrf0)  }
0x16: {  	v1 =	vadd.s32 $0x1F, v3;
	v7 =	vadd.s32 $0xFFFFFFFF, v6  }
0x17: {  	vm1 =	vne.s32 v2, $0x0;
	v6 =	vadd.s32 v1, v6;
	v8 =	vshll.u32 v7, $0x2  }
0x18: {  	v9 =	vshll.u32 v6, $0x2;
	v7 =	vand.u32 $0x1F, v7;
	v8 =	vand.u32 $0xFFFFFF80, v8  }
0x19: {  	v2 =	vand.u32 $0x1F, v6;
	v9 =	vand.u32 $0xFFFFFF80, v9;
	v7 =	vor.u32 v7, v8  }
0x1a: {  	v6 =	vor.u32 v2, v9;
	_ =	sdelay $0x1  }
0x1b: {  	s10 =	sshll.u32 s8, $0x5  }
0x1c: {  	s8 =	simm.s32 $0x80;
	v2 =	vor.u32 s10, v4  }
0x1d: {  	[tilespmem:v7+s8+$0x0] =	vst.idx.msk vm0, v2  }
0x1e: {  	[tilespmem:v6+s8+$0x0] =	vst.idx.msk vm1, v2  }
0x1f: {  	v6 =	vld [tilespmem:$0x10];
	_ =	sdelay $0x3  }
0x20: {  	(v2sf) =	vpush v5, $0xF  }
0x21: {  	(xrf0) =	vadd.scan.msk.s32 $0xffff, v6;
	_ =	sdelay $0x5  }
0x22: {  	v5, _, _ =	vpop (xrf0)  }
0x23: {  	(v2sf) =	vpush v5, $0xF;
	_ =	sdelay $0x3  }
0x24: {  	vm14 =	veq.s32 v6, $0x0  }
0x25: {  	v5 =	vsel vm14, $0x1, v0  }
0x26: {  	(xrf0) =	vadd.scan.msk.s32 $0xffff, v5  }
0x27: {  	s11 =	spop (v2sf)  }
0x28: {  	s12 =	ssub.s32 $0x10, s11  }
0x29: {  	v5 =	vmov s12  }
0x2a: {  	v5 =	vadd.s32 $0xFFFFFFFF, v5  }
0x2b: {  	v5 =	vbroadcast v5, $0x0  }
0x2c: {  	s25 =	ssub.s32 $0x20, s11;
	v7, _, _ =	vpop (xrf0)  }
0x2d: {  	v3 =	vadd.s32 $0xFFFFFFFF, v3;
	v5 =	vadd.s32 v7, v5;
	v7 =	vadd.s32 s25, v7  }
0x2e: {  	vm15 =	vne.s32 v6, $0x0;
	v6 =	vadd.s32 v3, v7;
	v7 =	vshll.u32 v5, $0x2  }
0x2f: {  	v5 =	vand.u32 $0x1F, v5;
	v7 =	vand.u32 $0xFFFFFF80, v7;
	v63 =	vshll.u32 v6, $0x2;
	s26 =	spop (v2sf)  }
0x30: {  	s9 =	ssub.s32 $0x2, s9;
	v6 =	vand.u32 $0x1F, v6;
	v5 =	vor.u32 v5, v7;
	v7 =	vand.u32 $0xFFFFFF80, v63;
	s11 =	sadd.s32 s26, s11  }
0x31: {  	s28 =	sshrl.u32 s9, $0x1;
	v6 =	vor.u32 v6, v7;
	s11 =	ssub.s32 $0x20, s11  }
0x32: {  	s9 =	ssub.s32 s9, s28;
	p0 =	sgt.s32 s11, $0x0  }
0x33: {  	s30 =	smax.u32 s9, $0x1;
	s10 =	sor.u32 $0x10, s10;
	s11 =	simm.s32 @!p0 $0x0  }
0x34: {  	v4 =	vor.u32 s10, v4;
	p0 =	sne.s32 s30, $0x1;
	s29 =	smin.u32 s11, $0x20  }
.Ltmp0:
0x35: {  	[tilespmem:v5+s8+$0x0] =	vst.idx.msk vm14, v4;
	s31 =	sshll.u32 s29, $0xA;
	(pc) =	sbr.rel @!p0 .LBB2_2-.Ltmp0, $4  }
0x36: {  	s9 =	simm.s32 $0x1;
	s10 =	simm.s32 $0x20;
	[tilespmem:v6+s8+$0x0] =	vst.idx.msk vm15, v4;
	s12 =	ssub.s32 $0x8100, s31  }
0x37: {  	[hbm4b:s2+s10] =	stream.indirect.scatter [tilespmem:s12], [sflag:$0x1], $0x400, s8, s10, $0xb8;
	[tilespmem:$0x10100] =	vst v63  }
0x38: {  	_ =	swait.ge [sflag:s9], $0x8000  }
0x39: {  	s11 =	sadd.s32 $0xFFFFFFFF, s30;
	[sflag:s9] =	ssyncset.done $0x0  }
.LBB2_1:
0x3a: {  	p0 =	sne.s32 s11, $0x1;
	s11 =	sadd.s32 $0xFFFFFFFF, s11;
	[sflag:s9] =	ssyncadd.s32 $0xFFFF8000  }
0x3b: {  	[tilespmem:s3], [sflag:$0x2] =	stream.linear.gather [hbm4b:s4+s3], $0x80, $0x38;
	[tilespmem:$0x10100] =	vst v63  }
0x3c: {  	_ =	swait.ge [sflag:s5], $0x80  }
0x3d: {  	[sflag:s5] =	ssyncset.done $0x0  }
0x3e: {  	[sflag:s5] =	ssyncadd.s32 $0xFFFFFF80  }
0x3f: {  	[tilespmem:s7], [sflag:$0x2] =	stream.linear.gather [hbm4b:s6+s3], $0x10000, $0x38;
	[tilespmem:$0x10100] =	vst v63  }
0x40: {  	_ =	swait.ge [sflag:s5], $0x10000  }
0x41: {  	[sflag:s5] =	ssyncset.done $0x0  }
0x42: {  	[sflag:s5] =	ssyncadd.s32 $0xFFFF0000  }
0x43: {  	v5 =	vld [tilespmem:$0x0];
	_ =	sdelay $0x4  }
0x44: {  	vm0 =	veq.s32 v5, $0x0;
	(xrf0) =	vadd.scan.msk.s32 $0xffff, v5  }
0x45: {  	v6 =	vsel vm0, $0x1, v0  }
0x46: {  	(xrf0) =	vadd.scan.msk.s32 $0xffff, v6;
	_ =	sdelay $0x3  }
0x47: {  	v6, _, _ =	vpop (xrf0)  }
0x48: {  	(v2sf) =	vpush v6, $0xF  }
0x49: {  	v6, _, _ =	vpop (xrf0)  }
0x4a: {  	v7 =	vadd.s32 $0xFFFFFFFF, v6;
	v6 =	vadd.s32 v1, v6  }
0x4b: {  	v8 =	vshll.u32 v7, $0x2;
	v9 =	vshll.u32 v6, $0x2  }
0x4c: {  	v7 =	vand.u32 $0x1F, v7;
	v8 =	vand.u32 $0xFFFFFF80, v8;
	v9 =	vand.u32 $0xFFFFFF80, v9  }
0x4d: {  	vm1 =	vne.s32 v5, $0x0;
	v6 =	vand.u32 $0x1F, v6;
	v5 =	vor.u32 v7, v8  }
0x4e: {  	v6 =	vor.u32 v6, v9;
	_ =	sdelay $0x3  }
0x4f: {  	[tilespmem:v5+s8+$0x0] =	vst.idx.msk vm0, v2  }
0x50: {  	[tilespmem:v6+s8+$0x0] =	vst.idx.msk vm1, v2  }
0x51: {  	v5 =	vld [tilespmem:$0x10];
	_ =	sdelay $0x2  }
0x52: {  	s12 =	spop (v2sf)  }
0x53: {  	s13 =	ssub.s32 $0x10, s12  }
0x54: {  	vm0 =	veq.s32 v5, $0x0;
	v6 =	vmov s13;
	(xrf0) =	vadd.scan.msk.s32 $0xffff, v5  }
0x55: {  	v7 =	vsel vm0, $0x1, v0;
	v6 =	vadd.s32 $0xFFFFFFFF, v6  }
0x56: {  	(xrf0) =	vadd.scan.msk.s32 $0xffff, v7;
	_ =	sdelay $0x3  }
0x57: {  	v7, _, _ =	vpop (xrf0)  }
0x58: {  	v6 =	vbroadcast v6, $0x0;
	(v2sf) =	vpush v7, $0xF  }
0x59: {  	s13 =	ssub.s32 $0x20, s12;
	v7, _, _ =	vpop (xrf0)  }
0x5a: {  	v6 =	vadd.s32 v7, v6;
	v7 =	vadd.s32 s13, v7  }
0x5b: {  	vm1 =	vne.s32 v5, $0x0;
	v5 =	vadd.s32 v3, v7;
	v7 =	vshll.u32 v6, $0x2  }
0x5c: {  	v6 =	vand.u32 $0x1F, v6;
	v7 =	vand.u32 $0xFFFFFF80, v7;
	v8 =	vshll.u32 v5, $0x2  }
0x5d: {  	v5 =	vand.u32 $0x1F, v5;
	v6 =	vor.u32 v6, v7;
	v7 =	vand.u32 $0xFFFFFF80, v8  }
0x5e: {  	v5 =	vor.u32 v5, v7;
	_ =	sdelay $0x3  }
0x5f: {  	[tilespmem:v6+s8+$0x0] =	vst.idx.msk vm0, v4  }
0x60: {  	[tilespmem:v5+s8+$0x0] =	vst.idx.msk vm1, v4;
	_ =	sdelay $0x3  }
0x61: {  	s13 =	spop (v2sf)  }
0x62: {  	s12 =	sadd.s32 s13, s12  }
0x63: {  	s12 =	ssub.s32 $0x20, s12  }
0x64: {  	p1 =	sgt.s32 s12, $0x0  }
0x65: {  	s12 =	simm.s32 @!p1 $0x0  }
0x66: {  	s12 =	smin.u32 s12, $0x20  }
.Ltmp1:
0x67: {  	s12 =	sshll.u32 s12, $0xA;
	(pc) =	sbr.rel @p0 .LBB2_1-.Ltmp1, $4  }
0x68: {  	s12 =	ssub.s32 $0x8100, s12  }
0x69: {  	[hbm4b:s2+s10] =	stream.indirect.scatter [tilespmem:s12], [sflag:$0x1], $0x400, s8, s10, $0xb8;
	[tilespmem:$0x10100] =	vst v63  }
0x6a: {  	_ =	swait.ge [sflag:s9], $0x8000  }
0x6b: {  	[sflag:s9] =	ssyncset.done $0x0  }
.LBB2_2:
0x6c: {  	[sflag:s9] =	ssyncadd.s32 $0xFFFF8000  }
0x6d: {  	_ =	sfence.sel $0x180000  }
0x6e: {  	[bflag:$0x0] =	sbarrier.arrive $0xFFFF  }
0x6f: {  	p0 =	sne.s32 s0, $0x0;
	_ =	strace $0x90000047  }
0x70: {  	s0 =	sadd.s32 @!p0 $0x100000, s1;
	[bflag:$0x2] =	sbarrier.arrive $0xFFFF  }
0x71: {  	[sflag:s0] =	ssyncadd.tile.s32 @!p0 $0x1;
	_ =	shalt  }
.Lfunc_end2:
_tile_overlayer_lowered:
.L_overlay_start_2:
0x72: {  	(tag) =	ssettag $0x2  }
0x73: {  	s0 =	rddreg [dreg:$0x0];
	s2 =	stileid.u32  }
0x74: {  	s1 =	rddreg [dreg:$0x1];
	p0 =	sne.s32 s2, $0x0  }
0x75: {  	s3 =	rddreg [dreg:$0x2];
	[bflag:$0x3] =	sbarrier.arrive $0xFFFF;
	s2 =	simm.s32 @!p0 $0x1C02  }
0x76: {  	[timem:s3], [sflag:s2] =	dma.local @!p0 [hbm:s0], s1  }
0x77: {  	s0 =	simm.s32 @!p0 $0x2  }
0x78: {  	_ =	swait.ge @!p0 [sflag:s0], s1  }
0x79: {  	s1 =	ssub.s32 @!p0 $0x0, s1;
	[sflag:s0] =	ssyncset.done @!p0 $0x0  }
0x7a: {  	[sflag:s0] =	ssyncadd.s32 @!p0 s1  }
0x7b: {  	[bflag:$0x3] =	sbarrier.arrive $0xFFFF  }
0x7c: {  	_ =	shalt  }

</sc_bundles>
